<compile_context>
chip_gen: v7x
topology: tpu7x:2x2x1
jax: 0.10.2.dev20260603
libtpu: 0.0.44.dev20260713+nightly
codegen_flags: <defaults>
</compile_context>

<pallas_src>
import jax
import jax.numpy as jnp
from jax import lax
from jax.experimental import pallas as pl
from jax.experimental.pallas import tpu as pltpu
from jax.experimental.pallas import tpu_sc as plsc

N = 100000
E = 6400000
NC = 2
NS = 16
L = 16
NW = NC * NS
PER_W = E // NW
B = 4000
N_CHUNKS = PER_W // B
N_PAIRS = N_CHUNKS // 2


def _sc_body(tab_hbm, src_hbm, dst_hbm, out_hbm,
             tab_v, src_a, dst_a, src_b, dst_b, acc_v, tab_sh, sem_a, sem_b):
    sid = lax.axis_index("s")
    wid = sid * NC + lax.axis_index("c")
    base = wid * PER_W
    pltpu.async_copy(src_hbm.at[pl.ds(base, B)], src_a, sem_a)
    pltpu.async_copy(dst_hbm.at[pl.ds(base, B)], dst_a, sem_a)

    @pl.when(sid == 0)
    def _():
        pltpu.sync_copy(tab_hbm, tab_sh)

    plsc.subcore_barrier()
    pltpu.sync_copy(tab_sh, tab_v)

    def compute(sv, dv, acc):
        def grp(g, acc):
            si = sv[pl.ds(g, L)]
            di = dv[pl.ds(g, L)]
            gi = plsc.load_gather(tab_v, [si])
            gj = plsc.load_gather(tab_v, [di])
            d = plsc.bitcast(gi, jnp.bfloat16) - plsc.bitcast(gj, jnp.bfloat16)
            a32 = plsc.bitcast(d, jnp.int32) & jnp.int32(0x7FFF7FFF)
            margin = lax.bitcast_convert_type(a32 & jnp.int32(-65536),
                                              jnp.float32)
            ad = lax.bitcast_convert_type(lax.shift_left(a32, 16),
                                          jnp.float32)
            t = jnp.where(margin == jnp.float32(0.0), ad, margin - ad)
            lt = jnp.maximum(t, jnp.float32(0.0))
            return acc + lt * lt

        return plsc.parallel_loop(0, B, L, unroll=4, carry=acc)(grp)

    def pair_body(k, acc):
        c0 = 2 * k
        pltpu.make_async_copy(src_hbm.at[pl.ds(base, B)], src_a, sem_a).wait()
        pltpu.make_async_copy(dst_hbm.at[pl.ds(base, B)], dst_a, sem_a).wait()
        off_b = base + (c0 + 1) * B
        pltpu.async_copy(src_hbm.at[pl.ds(off_b, B)], src_b, sem_b)
        pltpu.async_copy(dst_hbm.at[pl.ds(off_b, B)], dst_b, sem_b)
        acc = compute(src_a, dst_a, acc)
        pltpu.make_async_copy(src_hbm.at[pl.ds(base, B)], src_b, sem_b).wait()
        pltpu.make_async_copy(dst_hbm.at[pl.ds(base, B)], dst_b, sem_b).wait()

        @pl.when(k < N_PAIRS - 1)
        def _():
            off_a = base + (c0 + 2) * B
            pltpu.async_copy(src_hbm.at[pl.ds(off_a, B)], src_a, sem_a)
            pltpu.async_copy(dst_hbm.at[pl.ds(off_a, B)], dst_a, sem_a)

        return compute(src_b, dst_b, acc)

    acc = lax.fori_loop(0, N_PAIRS, pair_body, jnp.zeros((L,), jnp.float32))
    acc_v[...] = acc
    pltpu.sync_copy(acc_v, out_hbm.at[wid])


@jax.jit
def _pair_loss(tab, src, dst):
    mesh = plsc.VectorSubcoreMesh(core_axis_name="c", subcore_axis_name="s")
    partials = pl.kernel(
        _sc_body,
        out_type=jax.ShapeDtypeStruct((NW, L), jnp.float32),
        mesh=mesh,
        scratch_types=[
            pltpu.VMEM((N,), jnp.int32),
            pltpu.VMEM((B,), jnp.int32),
            pltpu.VMEM((B,), jnp.int32),
            pltpu.VMEM((B,), jnp.int32),
            pltpu.VMEM((B,), jnp.int32),
            pltpu.VMEM((L,), jnp.float32),
            pltpu.VMEM_SHARED((N,), jnp.int32),
            pltpu.SemaphoreType.DMA,
            pltpu.SemaphoreType.DMA,
        ],
        compiler_params=pltpu.CompilerParams(needs_layout_passes=False,
                                             disable_bounds_checks=True),
    )(tab, src, dst)
    return jnp.sum(partials) / jnp.float32(E)


def kernel(y_true, y_pred, src, dst, chr):
    pred_bits = lax.bitcast_convert_type(y_pred.astype(jnp.bfloat16),
                                         jnp.uint16).astype(jnp.int32)
    true_bits = lax.bitcast_convert_type(y_true.astype(jnp.bfloat16),
                                         jnp.uint16).astype(jnp.int32)
    tab = (true_bits << 16) | pred_bits
    return _pair_loss(tab, src, dst)

# --- scband reference (transcript-rebuilt; emitter-appended) ---
"""Pipeline reference for scband-local-pair-loss-consise-81947976007859 (READ-ONLY COPY).

The authoritative reference and input builder live on the scoring server;
editing this copy changes nothing except your own understanding.
"""

import jax, jax.numpy as jnp
import numpy as np

N = 100000
E = 6400000
LAMBDA_1 = 1.0
LAMBDA_2 = 1.0

def setup_inputs(seed: int = 0) -> dict:
    key = jax.random.key(seed)
    k1, k2, k3, k4, k5 = jax.random.split(key, 5)
    y_true = jax.random.randint(k1, (N,), 0, 100).astype(jnp.float32)
    y_pred = jax.random.normal(k2, (N,), dtype=jnp.float32)
    src = jax.random.randint(k3, (E,), 0, N, dtype=jnp.int32)
    dst = jax.random.randint(k4, (E,), 0, N, dtype=jnp.int32)
    chr = jax.random.randint(k5, (N,), 0, 23, dtype=jnp.int32)
    return {"y_true": y_true, "y_pred": y_pred, "src": src, "dst": dst, "chr": chr}

def reference(y_true, y_pred, src, dst, chr):
    # single_chr_forward path (multi=False); chr is unused in this path
    y_true_i = jnp.take(y_true, src, axis=0)
    y_true_j = jnp.take(y_true, dst, axis=0)
    y_pred_i = jnp.take(y_pred, src, axis=0)
    y_pred_j = jnp.take(y_pred, dst, axis=0)
    s = jnp.where(y_true_i == y_true_j, jnp.float32(-1.0), jnp.float32(1.0))
    margin = jnp.abs(y_true_i - y_true_j)
    loss_term = jnp.maximum(jnp.zeros_like(margin), margin - s * jnp.abs(y_pred_i - y_pred_j)) ** 2
    weighted_loss = jnp.where(s == -1.0, LAMBDA_1 * loss_term, LAMBDA_2 * loss_term)
    return jnp.mean(weighted_loss)

if __name__ == "__main__":
    import jax
    _d = setup_inputs()
    print(jax.jit(kernel)(*tuple(_d.values())))

</pallas_src>

<mosaic_0001>
#map = affine_map<(d0, d1) -> (0)>
#map1 = affine_map<(d0, d1) -> (0, 0)>
module attributes {stable_mosaic.version = 14 : i64} {
  func.func @_sc_body(%arg0: i32, %arg1: i32, %arg2: memref<100000xi32, #tpu.memory_space<hbm>>, %arg3: memref<6400000xi32, #tpu.memory_space<hbm>>, %arg4: memref<6400000xi32, #tpu.memory_space<hbm>>, %arg5: memref<32x16xf32, #tpu.memory_space<hbm>>, %arg6: memref<100000xi32, #tpu.memory_space<vmem>>, %arg7: memref<4000xi32, #tpu.memory_space<vmem>>, %arg8: memref<4000xi32, #tpu.memory_space<vmem>>, %arg9: memref<4000xi32, #tpu.memory_space<vmem>>, %arg10: memref<4000xi32, #tpu.memory_space<vmem>>, %arg11: memref<16xf32, #tpu.memory_space<vmem>>, %arg12: memref<100000xi32, #tpu.memory_space<vmem_shared>>, %arg13: memref<!tpu.dma_semaphore, #tpu.memory_space<semaphore_mem>>, %arg14: memref<!tpu.dma_semaphore, #tpu.memory_space<semaphore_mem>>) attributes {dimension_semantics = [#tpu.dimension_semantics<core_parallel>, #tpu.dimension_semantics<subcore_parallel>], iteration_bounds = array<i64: 2, 16>, scalar_prefetch = 0 : i64, scratch_operands = 9 : i64, tpu.core_type = #tpu.core_type<sc_vector_subcore>, window_params = [{transform_indices = #map}, {transform_indices = #map}, {transform_indices = #map}, {transform_indices = #map1}]} {
    %mul3A = arith.constant 2 : i32
    %mul3A_0 = arith.muli %arg1, %mul3A : i32
    %add3A = arith.addi %mul3A_0, %arg0 : i32
    %mul3A_1 = arith.constant 200000 : i32
    %mul3A_2 = arith.muli %add3A, %mul3A_1 : i32
    %dma_start3A = tpu.memref_slice %arg3[%mul3A_2] : memref<6400000xi32, #tpu.memory_space<hbm>> -> memref<4000xi32, #tpu.memory_space<hbm>>
    %dma_start3A_3 = tpu.memref_slice %arg3[%mul3A_2] : memref<6400000xi32, #tpu.memory_space<hbm>> -> memref<4000xi32, #tpu.memory_space<hbm>>
    tpu.enqueue_dma source(%dma_start3A_3 : memref<4000xi32, #tpu.memory_space<hbm>>) target(%arg7 : memref<4000xi32, #tpu.memory_space<vmem>>) target_semaphore(%arg13 : memref<!tpu.dma_semaphore, #tpu.memory_space<semaphore_mem>>)
    %dma_start3A_4 = tpu.memref_slice %arg4[%mul3A_2] : memref<6400000xi32, #tpu.memory_space<hbm>> -> memref<4000xi32, #tpu.memory_space<hbm>>
    %dma_start3A_5 = tpu.memref_slice %arg4[%mul3A_2] : memref<6400000xi32, #tpu.memory_space<hbm>> -> memref<4000xi32, #tpu.memory_space<hbm>>
    tpu.enqueue_dma source(%dma_start3A_5 : memref<4000xi32, #tpu.memory_space<hbm>>) target(%arg8 : memref<4000xi32, #tpu.memory_space<vmem>>) target_semaphore(%arg13 : memref<!tpu.dma_semaphore, #tpu.memory_space<semaphore_mem>>)
    %eq3A = arith.constant 0 : i32
    %eq3A_6 = arith.cmpi eq, %arg1, %eq3A : i32
    %convert_element_type3A = arith.extui %eq3A_6 : i1 to i32
    %cond3A = arith.constant 0 : i32
    %cond3A_7 = arith.cmpi ne, %convert_element_type3A, %cond3A : i32
    scf.if %cond3A_7 {
      "tpu.region"() ({
        %run_scoped3A = tpu.sem_alloc : memref<!tpu.dma_semaphore, #tpu.memory_space<semaphore_mem>>
        tpu.enqueue_dma source(%arg2 : memref<100000xi32, #tpu.memory_space<hbm>>) target(%arg12 : memref<100000xi32, #tpu.memory_space<vmem_shared>>) target_semaphore(%run_scoped3A : memref<!tpu.dma_semaphore, #tpu.memory_space<semaphore_mem>>)
        tpu.wait_dma2 semaphore(%run_scoped3A : memref<!tpu.dma_semaphore, #tpu.memory_space<semaphore_mem>>) src(%arg2 : memref<100000xi32, #tpu.memory_space<hbm>>) dst(%arg12 : memref<100000xi32, #tpu.memory_space<vmem_shared>>)
        tpu.yield
      }) : () -> ()
    } else {
    }
    %barrier3A = arith.constant 0 : index
    tpu.barrier barrier_id(%barrier3A)
    "tpu.region"() ({
      %run_scoped3A = tpu.sem_alloc : memref<!tpu.dma_semaphore, #tpu.memory_space<semaphore_mem>>
      tpu.enqueue_dma source(%arg12 : memref<100000xi32, #tpu.memory_space<vmem_shared>>) target(%arg6 : memref<100000xi32, #tpu.memory_space<vmem>>) target_semaphore(%run_scoped3A : memref<!tpu.dma_semaphore, #tpu.memory_space<semaphore_mem>>)
      tpu.wait_dma2 semaphore(%run_scoped3A : memref<!tpu.dma_semaphore, #tpu.memory_space<semaphore_mem>>) src(%arg12 : memref<100000xi32, #tpu.memory_space<vmem_shared>>) dst(%arg6 : memref<100000xi32, #tpu.memory_space<vmem>>)
      tpu.yield
    }) : () -> ()
    %broadcast_in_dim3A = arith.constant 0.000000e+00 : f32
    %broadcast_in_dim3A_8 = vector.broadcast %broadcast_in_dim3A : f32 to vector<16xf32>
    %scan3A = arith.constant 0 : i32
    %scan3A_9 = arith.constant 25 : i32
    %scan3A_10 = arith.addi %scan3A, %scan3A_9 : i32
    %scan3A_11 = arith.constant 1 : i32
    %scan3A_12 = scf.for %scan3A_15 = %scan3A to %scan3A_10 step %scan3A_11 iter_args(%scan3A_16 = %broadcast_in_dim3A_8) -> (vector<16xf32>)  : i32 {
      %mul3A_17 = arith.constant 2 : i32
      %mul3A_18 = arith.muli %mul3A_17, %scan3A_15 : i32
      %dma_wait3A = tpu.memref_slice %arg3[%mul3A_2] : memref<6400000xi32, #tpu.memory_space<hbm>> -> memref<4000xi32, #tpu.memory_space<hbm>>
      %dma_wait3A_19 = tpu.memref_slice %arg3[%mul3A_2] : memref<6400000xi32, #tpu.memory_space<hbm>> -> memref<4000xi32, #tpu.memory_space<hbm>>
      tpu.wait_dma2 semaphore(%arg13 : memref<!tpu.dma_semaphore, #tpu.memory_space<semaphore_mem>>) src(%dma_wait3A_19 : memref<4000xi32, #tpu.memory_space<hbm>>) dst(%arg7 : memref<4000xi32, #tpu.memory_space<vmem>>)
      %dma_wait3A_20 = tpu.memref_slice %arg4[%mul3A_2] : memref<6400000xi32, #tpu.memory_space<hbm>> -> memref<4000xi32, #tpu.memory_space<hbm>>
      %dma_wait3A_21 = tpu.memref_slice %arg4[%mul3A_2] : memref<6400000xi32, #tpu.memory_space<hbm>> -> memref<4000xi32, #tpu.memory_space<hbm>>
      tpu.wait_dma2 semaphore(%arg13 : memref<!tpu.dma_semaphore, #tpu.memory_space<semaphore_mem>>) src(%dma_wait3A_21 : memref<4000xi32, #tpu.memory_space<hbm>>) dst(%arg8 : memref<4000xi32, #tpu.memory_space<vmem>>)
      %add3A_22 = arith.constant 1 : i32
      %add3A_23 = arith.addi %mul3A_18, %add3A_22 : i32
      %mul3A_24 = arith.constant 4000 : i32
      %mul3A_25 = arith.muli %add3A_23, %mul3A_24 : i32
      %add3A_26 = arith.addi %mul3A_2, %mul3A_25 : i32
      %dma_start3A_27 = tpu.memref_slice %arg3[%add3A_26] : memref<6400000xi32, #tpu.memory_space<hbm>> -> memref<4000xi32, #tpu.memory_space<hbm>>
      %dma_start3A_28 = tpu.memref_slice %arg3[%add3A_26] : memref<6400000xi32, #tpu.memory_space<hbm>> -> memref<4000xi32, #tpu.memory_space<hbm>>
      tpu.enqueue_dma source(%dma_start3A_28 : memref<4000xi32, #tpu.memory_space<hbm>>) target(%arg9 : memref<4000xi32, #tpu.memory_space<vmem>>) target_semaphore(%arg14 : memref<!tpu.dma_semaphore, #tpu.memory_space<semaphore_mem>>)
      %dma_start3A_29 = tpu.memref_slice %arg4[%add3A_26] : memref<6400000xi32, #tpu.memory_space<hbm>> -> memref<4000xi32, #tpu.memory_space<hbm>>
      %dma_start3A_30 = tpu.memref_slice %arg4[%add3A_26] : memref<6400000xi32, #tpu.memory_space<hbm>> -> memref<4000xi32, #tpu.memory_space<hbm>>
      tpu.enqueue_dma source(%dma_start3A_30 : memref<4000xi32, #tpu.memory_space<hbm>>) target(%arg10 : memref<4000xi32, #tpu.memory_space<vmem>>) target_semaphore(%arg14 : memref<!tpu.dma_semaphore, #tpu.memory_space<semaphore_mem>>)
      %parallel_loop3A = arith.constant 0 : i32
      %parallel_loop3A_31 = arith.constant 4000 : i32
      %parallel_loop3A_32 = arith.constant 16 : i32
      %parallel_loop3A_33 = scf.for %parallel_loop3A_46 = %parallel_loop3A to %parallel_loop3A_31 step %parallel_loop3A_32 iter_args(%parallel_loop3A_47 = %scan3A_16) -> (vector<16xf32>)  : i32 {
        %parallel_loop3A_48 = arith.index_cast %parallel_loop3A_46 : i32 to index
        %parallel_loop3A_49 = tpu.vector_load %arg7[%parallel_loop3A_48] {strides = array<i32>} : memref<4000xi32, #tpu.memory_space<vmem>>, vector<16xi32>,
        %parallel_loop3A_50 = arith.index_cast %parallel_loop3A_46 : i32 to index
        %parallel_loop3A_51 = tpu.vector_load %arg8[%parallel_loop3A_50] {strides = array<i32>} : memref<4000xi32, #tpu.memory_space<vmem>>, vector<16xi32>,
        %parallel_loop3A_52 = tpu.vector_load_idx %arg6[%parallel_loop3A_49] : memref<100000xi32, #tpu.memory_space<vmem>>[vector<16xi32>], vector<16xi32>,
        %parallel_loop3A_53 = tpu.vector_load_idx %arg6[%parallel_loop3A_51] : memref<100000xi32, #tpu.memory_space<vmem>>[vector<16xi32>], vector<16xi32>,
        %parallel_loop3A_54 = vector.bitcast %parallel_loop3A_52 : vector<16xi32> to vector<32xbf16>
        %parallel_loop3A_55 = vector.bitcast %parallel_loop3A_53 : vector<16xi32> to vector<32xbf16>
        %parallel_loop3A_56 = arith.subf %parallel_loop3A_54, %parallel_loop3A_55 : vector<32xbf16>
        %parallel_loop3A_57 = vector.bitcast %parallel_loop3A_56 : vector<32xbf16> to vector<16xi32>
        %parallel_loop3A_58 = arith.constant 2147450879 : i32
        %parallel_loop3A_59 = vector.broadcast %parallel_loop3A_58 : i32 to vector<16xi32>
        %parallel_loop3A_60 = arith.andi %parallel_loop3A_57, %parallel_loop3A_59 : vector<16xi32>
        %parallel_loop3A_61 = arith.constant -65536 : i32
        %parallel_loop3A_62 = vector.broadcast %parallel_loop3A_61 : i32 to vector<16xi32>
        %parallel_loop3A_63 = arith.andi %parallel_loop3A_60, %parallel_loop3A_62 : vector<16xi32>
        %parallel_loop3A_64 = tpu.bitcast %parallel_loop3A_63 : vector<16xi32> -> vector<16xf32>
        %parallel_loop3A_65 = arith.constant 16 : i32
        %parallel_loop3A_66 = vector.broadcast %parallel_loop3A_65 : i32 to vector<16xi32>
        %parallel_loop3A_67 = arith.shli %parallel_loop3A_60, %parallel_loop3A_66 : vector<16xi32>
        %parallel_loop3A_68 = tpu.bitcast %parallel_loop3A_67 : vector<16xi32> -> vector<16xf32>
        %parallel_loop3A_69 = arith.constant 0.000000e+00 : f32
        %parallel_loop3A_70 = vector.broadcast %parallel_loop3A_69 : f32 to vector<16xf32>
        %parallel_loop3A_71 = arith.cmpf oeq, %parallel_loop3A_64, %parallel_loop3A_70 : vector<16xf32>
        %parallel_loop3A_72 = arith.subf %parallel_loop3A_64, %parallel_loop3A_68 : vector<16xf32>
        %parallel_loop3A_73 = arith.select %parallel_loop3A_71, %parallel_loop3A_68, %parallel_loop3A_72 : vector<16xi1>, vector<16xf32>
        %parallel_loop3A_74 = arith.constant 0.000000e+00 : f32
        %parallel_loop3A_75 = vector.broadcast %parallel_loop3A_74 : f32 to vector<16xf32>
        %parallel_loop3A_76 = arith.maximumf %parallel_loop3A_73, %parallel_loop3A_75 : vector<16xf32>
        %parallel_loop3A_77 = arith.mulf %parallel_loop3A_76, %parallel_loop3A_76 : vector<16xf32>
        %parallel_loop3A_78 = arith.addf %parallel_loop3A_47, %parallel_loop3A_77 : vector<16xf32>
        scf.yield %parallel_loop3A_78 : vector<16xf32>
      } {sc.loop_unroll_factor = 4 : i64, sc.parallel_access}
      %dma_wait3A_34 = tpu.memref_slice %arg3[%mul3A_2] : memref<6400000xi32, #tpu.memory_space<hbm>> -> memref<4000xi32, #tpu.memory_space<hbm>>
      %dma_wait3A_35 = tpu.memref_slice %arg3[%mul3A_2] : memref<6400000xi32, #tpu.memory_space<hbm>> -> memref<4000xi32, #tpu.memory_space<hbm>>
      tpu.wait_dma2 semaphore(%arg14 : memref<!tpu.dma_semaphore, #tpu.memory_space<semaphore_mem>>) src(%dma_wait3A_35 : memref<4000xi32, #tpu.memory_space<hbm>>) dst(%arg9 : memref<4000xi32, #tpu.memory_space<vmem>>)
      %dma_wait3A_36 = tpu.memref_slice %arg4[%mul3A_2] : memref<6400000xi32, #tpu.memory_space<hbm>> -> memref<4000xi32, #tpu.memory_space<hbm>>
      %dma_wait3A_37 = tpu.memref_slice %arg4[%mul3A_2] : memref<6400000xi32, #tpu.memory_space<hbm>> -> memref<4000xi32, #tpu.memory_space<hbm>>
      tpu.wait_dma2 semaphore(%arg14 : memref<!tpu.dma_semaphore, #tpu.memory_space<semaphore_mem>>) src(%dma_wait3A_37 : memref<4000xi32, #tpu.memory_space<hbm>>) dst(%arg10 : memref<4000xi32, #tpu.memory_space<vmem>>)
      %lt3A = arith.constant 24 : i32
      %lt3A_38 = arith.cmpi slt, %scan3A_15, %lt3A : i32
      %convert_element_type3A_39 = arith.extui %lt3A_38 : i1 to i32
      %cond3A_40 = arith.constant 0 : i32
      %cond3A_41 = arith.cmpi ne, %convert_element_type3A_39, %cond3A_40 : i32
      scf.if %cond3A_41 {
        %add3A_46 = arith.constant 2 : i32
        %add3A_47 = arith.addi %mul3A_18, %add3A_46 : i32
        %mul3A_48 = arith.constant 4000 : i32
        %mul3A_49 = arith.muli %add3A_47, %mul3A_48 : i32
        %add3A_50 = arith.addi %mul3A_2, %mul3A_49 : i32
        %dma_start3A_51 = tpu.memref_slice %arg3[%add3A_50] : memref<6400000xi32, #tpu.memory_space<hbm>> -> memref<4000xi32, #tpu.memory_space<hbm>>
        %dma_start3A_52 = tpu.memref_slice %arg3[%add3A_50] : memref<6400000xi32, #tpu.memory_space<hbm>> -> memref<4000xi32, #tpu.memory_space<hbm>>
        tpu.enqueue_dma source(%dma_start3A_52 : memref<4000xi32, #tpu.memory_space<hbm>>) target(%arg7 : memref<4000xi32, #tpu.memory_space<vmem>>) target_semaphore(%arg13 : memref<!tpu.dma_semaphore, #tpu.memory_space<semaphore_mem>>)
        %dma_start3A_53 = tpu.memref_slice %arg4[%add3A_50] : memref<6400000xi32, #tpu.memory_space<hbm>> -> memref<4000xi32, #tpu.memory_space<hbm>>
        %dma_start3A_54 = tpu.memref_slice %arg4[%add3A_50] : memref<6400000xi32, #tpu.memory_space<hbm>> -> memref<4000xi32, #tpu.memory_space<hbm>>
        tpu.enqueue_dma source(%dma_start3A_54 : memref<4000xi32, #tpu.memory_space<hbm>>) target(%arg8 : memref<4000xi32, #tpu.memory_space<vmem>>) target_semaphore(%arg13 : memref<!tpu.dma_semaphore, #tpu.memory_space<semaphore_mem>>)
      } else {
      }
      %parallel_loop3A_42 = arith.constant 0 : i32
      %parallel_loop3A_43 = arith.constant 4000 : i32
      %parallel_loop3A_44 = arith.constant 16 : i32
      %parallel_loop3A_45 = scf.for %parallel_loop3A_46 = %parallel_loop3A_42 to %parallel_loop3A_43 step %parallel_loop3A_44 iter_args(%parallel_loop3A_47 = %parallel_loop3A_33) -> (vector<16xf32>)  : i32 {
        %parallel_loop3A_48 = arith.index_cast %parallel_loop3A_46 : i32 to index
        %parallel_loop3A_49 = tpu.vector_load %arg9[%parallel_loop3A_48] {strides = array<i32>} : memref<4000xi32, #tpu.memory_space<vmem>>, vector<16xi32>,
        %parallel_loop3A_50 = arith.index_cast %parallel_loop3A_46 : i32 to index
        %parallel_loop3A_51 = tpu.vector_load %arg10[%parallel_loop3A_50] {strides = array<i32>} : memref<4000xi32, #tpu.memory_space<vmem>>, vector<16xi32>,
        %parallel_loop3A_52 = tpu.vector_load_idx %arg6[%parallel_loop3A_49] : memref<100000xi32, #tpu.memory_space<vmem>>[vector<16xi32>], vector<16xi32>,
        %parallel_loop3A_53 = tpu.vector_load_idx %arg6[%parallel_loop3A_51] : memref<100000xi32, #tpu.memory_space<vmem>>[vector<16xi32>], vector<16xi32>,
        %parallel_loop3A_54 = vector.bitcast %parallel_loop3A_52 : vector<16xi32> to vector<32xbf16>
        %parallel_loop3A_55 = vector.bitcast %parallel_loop3A_53 : vector<16xi32> to vector<32xbf16>
        %parallel_loop3A_56 = arith.subf %parallel_loop3A_54, %parallel_loop3A_55 : vector<32xbf16>
        %parallel_loop3A_57 = vector.bitcast %parallel_loop3A_56 : vector<32xbf16> to vector<16xi32>
        %parallel_loop3A_58 = arith.constant 2147450879 : i32
        %parallel_loop3A_59 = vector.broadcast %parallel_loop3A_58 : i32 to vector<16xi32>
        %parallel_loop3A_60 = arith.andi %parallel_loop3A_57, %parallel_loop3A_59 : vector<16xi32>
        %parallel_loop3A_61 = arith.constant -65536 : i32
        %parallel_loop3A_62 = vector.broadcast %parallel_loop3A_61 : i32 to vector<16xi32>
        %parallel_loop3A_63 = arith.andi %parallel_loop3A_60, %parallel_loop3A_62 : vector<16xi32>
        %parallel_loop3A_64 = tpu.bitcast %parallel_loop3A_63 : vector<16xi32> -> vector<16xf32>
        %parallel_loop3A_65 = arith.constant 16 : i32
        %parallel_loop3A_66 = vector.broadcast %parallel_loop3A_65 : i32 to vector<16xi32>
        %parallel_loop3A_67 = arith.shli %parallel_loop3A_60, %parallel_loop3A_66 : vector<16xi32>
        %parallel_loop3A_68 = tpu.bitcast %parallel_loop3A_67 : vector<16xi32> -> vector<16xf32>
        %parallel_loop3A_69 = arith.constant 0.000000e+00 : f32
        %parallel_loop3A_70 = vector.broadcast %parallel_loop3A_69 : f32 to vector<16xf32>
        %parallel_loop3A_71 = arith.cmpf oeq, %parallel_loop3A_64, %parallel_loop3A_70 : vector<16xf32>
        %parallel_loop3A_72 = arith.subf %parallel_loop3A_64, %parallel_loop3A_68 : vector<16xf32>
        %parallel_loop3A_73 = arith.select %parallel_loop3A_71, %parallel_loop3A_68, %parallel_loop3A_72 : vector<16xi1>, vector<16xf32>
        %parallel_loop3A_74 = arith.constant 0.000000e+00 : f32
        %parallel_loop3A_75 = vector.broadcast %parallel_loop3A_74 : f32 to vector<16xf32>
        %parallel_loop3A_76 = arith.maximumf %parallel_loop3A_73, %parallel_loop3A_75 : vector<16xf32>
        %parallel_loop3A_77 = arith.mulf %parallel_loop3A_76, %parallel_loop3A_76 : vector<16xf32>
        %parallel_loop3A_78 = arith.addf %parallel_loop3A_47, %parallel_loop3A_77 : vector<16xf32>
        scf.yield %parallel_loop3A_78 : vector<16xf32>
      } {sc.loop_unroll_factor = 4 : i64, sc.parallel_access}
      scf.yield %parallel_loop3A_45 : vector<16xf32>
    }
    %scan3A_13 = arith.constant 25 : i32
    %swap3A = arith.constant 0 : index
    %swap3A_14 = tpu.vector_load %arg11[%swap3A] {strides = array<i32>} : memref<16xf32, #tpu.memory_space<vmem>>, vector<16xf32>,
    tpu.vector_store %arg11[%swap3A], %scan3A_12 {strides = array<i32>} : memref<16xf32, #tpu.memory_space<vmem>>, vector<16xf32>,
    "tpu.region"() ({
      %run_scoped3A = tpu.sem_alloc : memref<!tpu.dma_semaphore, #tpu.memory_space<semaphore_mem>>
      %dma_start3A_15 = arith.constant 0 : i32
      %dma_start3A_16 = tpu.memref_slice %arg5[%add3A, %dma_start3A_15] : memref<32x16xf32, #tpu.memory_space<hbm>> -> memref<1x16xf32, #tpu.memory_space<hbm>>
      %dma_start3A_17 = tpu.memref_squeeze %dma_start3A_16 : memref<1x16xf32, #tpu.memory_space<hbm>> -> memref<16xf32, #tpu.memory_space<hbm>>
      %dma_start3A_18 = arith.constant 0 : i32
      %dma_start3A_19 = tpu.memref_slice %arg5[%add3A, %dma_start3A_18] : memref<32x16xf32, #tpu.memory_space<hbm>> -> memref<1x16xf32, #tpu.memory_space<hbm>>
      %dma_start3A_20 = tpu.memref_squeeze %dma_start3A_19 : memref<1x16xf32, #tpu.memory_space<hbm>> -> memref<16xf32, #tpu.memory_space<hbm>>
      tpu.enqueue_dma source(%arg11 : memref<16xf32, #tpu.memory_space<vmem>>) target(%dma_start3A_20 : memref<16xf32, #tpu.memory_space<hbm>>) target_semaphore(%run_scoped3A : memref<!tpu.dma_semaphore, #tpu.memory_space<semaphore_mem>>)
      %dma_wait3A = arith.constant 0 : i32
      %dma_wait3A_21 = tpu.memref_slice %arg5[%add3A, %dma_wait3A] : memref<32x16xf32, #tpu.memory_space<hbm>> -> memref<1x16xf32, #tpu.memory_space<hbm>>
      %dma_wait3A_22 = tpu.memref_squeeze %dma_wait3A_21 : memref<1x16xf32, #tpu.memory_space<hbm>> -> memref<16xf32, #tpu.memory_space<hbm>>
      %dma_wait3A_23 = arith.constant 0 : i32
      %dma_wait3A_24 = tpu.memref_slice %arg5[%add3A, %dma_wait3A_23] : memref<32x16xf32, #tpu.memory_space<hbm>> -> memref<1x16xf32, #tpu.memory_space<hbm>>
      %dma_wait3A_25 = tpu.memref_squeeze %dma_wait3A_24 : memref<1x16xf32, #tpu.memory_space<hbm>> -> memref<16xf32, #tpu.memory_space<hbm>>
      tpu.wait_dma2 semaphore(%run_scoped3A : memref<!tpu.dma_semaphore, #tpu.memory_space<semaphore_mem>>) src(%arg11 : memref<16xf32, #tpu.memory_space<vmem>>) dst(%dma_wait3A_25 : memref<16xf32, #tpu.memory_space<hbm>>)
      tpu.yield
    }) : () -> ()
    return
  }
}

</mosaic_0001>

<sc_bundles>
// kernel: _pair_loss.3.cloned.1.call-start
scs
__scs_entry_jumppad:
0x0: {  	(pc) =	sbr.rel $0x88, $3  }
0x1: {  	(tag) =	ssettag $0x0;
	lr =	simm.s32 $0x1  }
0x2: {  	[smem:$0x3F9E] =	sst lr;
	_ =	strace $0xD0000000  }
0x3: {  	_ = 	snop  }
0x4: {  	_ = 	snop  }
0x5: {  	_ = 	snop  }
0x6: {  	_ = 	snop  }
0x7: {  	_ = 	snop  }
__scs_overlays_trampoline_lowered:
0x8: {  	[smem:$0x3FAD] =	sst s0  }
0x9: {  	[smem:$0x3FAE] =	sst s1  }
0xa: {  	[smem:$0x3FAF] =	sst s2  }
0xb: {  	[smem:$0x3FB0] =	sst s3  }
0xc: {  	[smem:$0x3FB1] =	sst s4  }
0xd: {  	[smem:$0x3FB2] =	sst s5  }
0xe: {  	[smem:$0x3FB3] =	sst s6  }
0xf: {  	[smem:$0x3FB4] =	sst s7  }
0x10: {  	[smem:$0x3FB5] =	sst s8  }
0x11: {  	[smem:$0x3FB6] =	sst s9;
	s0 =	simm.s32 @!p0 $0x0  }
0x12: {  	s1 =	sld [smem:$0x3F9C];
	s0 =	simm.s32 @p0 $0x1  }
0x13: {  	[smem:$0x3FB7] =	sst s0;
	s0 =	simm.s32 @!p1 $0x0  }
0x14: {  	s2 =	sld [smem:$0x3F9B];
	s0 =	simm.s32 @p1 $0x1  }
0x15: {  	[smem:$0x3FB8] =	sst s0;
	s0 =	simm.s32 @!p2 $0x0  }
0x16: {  	s3 =	sld [smem:$0x3FDB];
	s0 =	simm.s32 @p2 $0x1  }
0x17: {  	s4 =	simm.s32 $0x1BF5;
	[smem:$0x3FBA] =	sst s0  }
0x18: {  	s0 =	sld [smem:$0x3F9D];
	_ =	swait.ge [sflag:s4], $0x0  }
0x19: {  	s7 =	sld [smem:$0x3F9E]  }
0x1a: {  	s8 =	sadd.s32 $0xFFFFE003, lr  }
0x1b: {  	s9 =	sadd.s32 $0xFFFFFEF7, lr;
	s5 =	simm.s32 $0xFFFFFFFF;
	p2 =	slt.u32 s8, $0xFFFFF086  }
0x1c: {  	p1 =	slt.u32 s9, $0xF7A;
	s5 =	simm.s32 @!p2 $0x0  }
0x1d: {  	s5 =	simm.s32 @p1 $0x1;
	p0 =	seq.s32 s7, s2  }
0x1e: {  	s7 =	smul.u32 @!p0 $0xF7A, s2;
	p2 =	seq.s32 @!p0 s5, $0x0  }
0x1f: {  	s9 =	smul.u32 $0xF7A, s1;
	s8 =	simm.s32 @!p0 $0x1BF5;
	p2 =	por !p2, p0  }
0x20: {  	[sflag:s8] =	ssyncset.s32 @!p0 $0xFFFFF086;
	s6 =	sadd.s32 @!p0 s3, s7;
	s7 =	simm.s32 @!p0 $0x108  }
0x21: {  	s3 =	sadd.s32 s3, s9;
	s6 =	sadd.s32 @!p0 $0x88, s6;
	s7 =	simm.s32 @p2 $0x1082  }
0x22: {  	[simem:s7], [sflag:s8] =	dma.local @!p0 [hbm:s6], $0xF7A  }
0x23: {  	s9 =	sor.u32 $0xD0000000, s2;
	s6 =	simm.s32 $0x108;
	_ =	swait.ge @!p0 [sflag:s8], $0x0  }
0x24: {  	s3 =	sadd.s32 $0x88, s3;
	s6 =	simm.s32 @!p1 $0x1082;
	[sflag:s4] =	ssyncset.s32 $0xFFFFF086  }
0x25: {  	[simem:s6], [sflag:s4] =	dma.local [hbm:s3], $0xF7A  }
0x26: {  	[smem:$0x3F9E] =	sst s1;
	(tag) =	ssettag s2;
	_ =	strace s9  }
0x27: {  	s1 =	sld [smem:$0x3FAE]  }
0x28: {  	s2 =	sld [smem:$0x3FAF]  }
0x29: {  	s4 =	sld [smem:$0x3FB1]  }
0x2a: {  	p0 =	seq.s32 s5, $0x0;
	s5 =	sld [smem:$0x3FB2]  }
0x2b: {  	s6 =	sld [smem:$0x3FB3]  }
0x2c: {  	s7 =	sld [smem:$0x3FB4]  }
0x2d: {  	s3 =	simm.s32 $0x108;
	s8 =	sld [smem:$0x3FB5]  }
0x2e: {  	s3 =	simm.s32 @!p0 $0x1082;
	s9 =	sld [smem:$0x3FB6]  }
0x2f: {  	lr =	sadd.s32 s0, s3;
	s0 =	sld [smem:$0x3FAD]  }
0x30: {  	s3 =	sld [smem:$0x3FB0]  }
0x31: {  	[smem:$0x3FB9] =	sst s10  }
0x32: {  	s10 =	sld [smem:$0x3FB7];
	_ =	sdelay $0x3  }
0x33: {  	p0 =	seq.s32 s10, $0x1;
	s10 =	sld [smem:$0x3FB9];
	_ =	sdelay $0x3  }
0x34: {  	[smem:$0x3FB9] =	sst s10  }
0x35: {  	s10 =	sld [smem:$0x3FB8];
	_ =	sdelay $0x3  }
0x36: {  	p1 =	seq.s32 s10, $0x1;
	s10 =	sld [smem:$0x3FB9];
	_ =	sdelay $0x3  }
0x37: {  	[smem:$0x3FB9] =	sst s10  }
0x38: {  	s10 =	sld [smem:$0x3FBA]  }
0x39: {  	_ = 	snop;
	(pc) =	sbr.ind lr, $3  }
0x3a: {  	_ = 	snop  }
0x3b: {  	_ = 	snop  }
0x3c: {  	p2 =	seq.s32 s10, $0x1;
	s10 =	sld [smem:$0x3FB9]  }
0x3d: {  	_ =	shalt  }
0x3e: {  	_ =	shalt  }
0x3f: {  	_ =	shalt  }
0x40: {  	_ =	shalt  }
0x41: {  	_ =	shalt  }
0x42: {  	_ =	shalt  }
0x43: {  	_ =	shalt  }
0x44: {  	_ =	shalt  }
0x45: {  	_ =	shalt  }
0x46: {  	_ =	shalt  }
0x47: {  	_ =	shalt  }
0x48: {  	_ =	shalt  }
0x49: {  	_ =	shalt  }
0x4a: {  	_ =	shalt  }
0x4b: {  	_ =	shalt  }
0x4c: {  	_ =	shalt  }
0x4d: {  	_ =	shalt  }
0x4e: {  	_ =	shalt  }
0x4f: {  	_ =	shalt  }
0x50: {  	_ =	shalt  }
0x51: {  	_ =	shalt  }
0x52: {  	_ =	shalt  }
0x53: {  	_ =	shalt  }
0x54: {  	_ =	shalt  }
0x55: {  	_ =	shalt  }
0x56: {  	_ =	shalt  }
0x57: {  	_ =	shalt  }
0x58: {  	_ =	shalt  }
0x59: {  	_ =	shalt  }
0x5a: {  	_ =	shalt  }
0x5b: {  	_ =	shalt  }
0x5c: {  	_ =	shalt  }
0x5d: {  	_ =	shalt  }
0x5e: {  	_ =	shalt  }
0x5f: {  	_ =	shalt  }
0x60: {  	_ =	shalt  }
0x61: {  	_ =	shalt  }
0x62: {  	_ =	shalt  }
0x63: {  	_ =	shalt  }
0x64: {  	_ =	shalt  }
0x65: {  	_ =	shalt  }
0x66: {  	_ =	shalt  }
0x67: {  	_ =	shalt  }
0x68: {  	_ =	shalt  }
0x69: {  	_ =	shalt  }
0x6a: {  	_ =	shalt  }
0x6b: {  	_ =	shalt  }
0x6c: {  	_ =	shalt  }
0x6d: {  	_ =	shalt  }
0x6e: {  	_ =	shalt  }
0x6f: {  	_ =	shalt  }
0x70: {  	_ =	shalt  }
0x71: {  	_ =	shalt  }
0x72: {  	_ =	shalt  }
0x73: {  	_ =	shalt  }
0x74: {  	_ =	shalt  }
0x75: {  	_ =	shalt  }
0x76: {  	_ =	shalt  }
0x77: {  	_ =	shalt  }
0x78: {  	_ =	shalt  }
0x79: {  	_ =	shalt  }
0x7a: {  	_ =	shalt  }
0x7b: {  	_ =	shalt  }
0x7c: {  	_ =	shalt  }
0x7d: {  	_ =	shalt  }
0x7e: {  	_ =	shalt  }
0x7f: {  	_ =	shalt  }
0x80: {  	_ =	shalt  }
0x81: {  	_ =	shalt  }
0x82: {  	_ =	shalt  }
0x83: {  	_ =	shalt  }
0x84: {  	_ =	shalt  }
0x85: {  	_ =	shalt  }
0x86: {  	_ =	shalt  }
0x87: {  	_ =	shalt  }
.Lfunc_end0:
.L_simem_size_0:
called_computation_lowered:
.L_overlay_start_0:
0x88: {  	s2 =	sld [smem:$0x3FD9]  }
0x89: {  	s3 =	sld [smem:$0x3FFE];
	_ =	sdelay $0x1  }
0x8a: {  	s1 =	srdreg.scid  }
0x8b: {  	s0 =	sand.u32 $0x1, s1  }
0x8c: {  	s17 =	sshll.u32 s0, $0xA;
	s2 =	sadd.s32 s3, s2  }
0x8d: {  	s2 =	sadd.s32 s2, s17  }
0x8e: {  	[smem:$0x3FC5] =	sst s2  }
0x8f: {  	_ = 	snop  }
0x90: {  	s2 =	sld [smem:$0x3FC9]  }
0x91: {  	s18 =	sld [smem:$0x3FC8]  }
0x92: {  	s4 =	sld [smem:$0x3FC7];
	(tm) =	ssettm $0x1  }
0x93: {  	s5 =	sld [smem:$0x3FFB];
	_ =	sdelay $0x3  }
0x94: {  	_ =	strace s5  }
0x95: {  	s5 =	sld [smem:$0x3FFC];
	_ =	sdelay $0x3  }
0x96: {  	_ =	strace s5  }
0x97: {  	s5 =	sld [smem:$0x3FFD];
	_ =	sdelay $0x3  }
0x98: {  	_ =	strace s5  }
0x99: {  	_ =	strace $0x8FFFFFFF  }
0x9a: {  	s19 =	sld [smem:$0x3FDB];
	_ =	sdelay $0x1  }
0x9b: {  	s6 =	simm.s32 $_scs_section_size  }
0x9c: {  	s7 =	simm.s32 $_size__tile_overlayer_lowered;
	s8 =	simm.s32 $_tile_overlayer_lowered  }
0x9d: {  	s22 =	simm.s32 $0x1BFF;
	s21 =	sshll.u32 s8, $0x1;
	s5 =	sadd.s32 s6, s19  }
0x9e: {  	s9 =	simm.s32 $0x0;
	s20 =	sshll.u32 s7, $0x1;
	s7 =	sadd.s32 s21, s5  }
0x9f: {  	[timem:s9], [sflag:s22] =	dma.local [hbm:s7], s20  }
0xa0: {  	_ =	swait.ge [sflag:s22], s20  }
0xa1: {  	s6 =	ssub.s32 $0x0, s20;
	[sflag:s22] =	ssyncset.done $0x0  }
0xa2: {  	[sflag:s22] =	ssyncadd.s32 s6;
	_ =	sdelay $0x1  }
0xa3: {  	s23 =	simm.s32 $0x1B8B  }
0xa4: {  	_ =	swait.ge [sflag:s23], $0x1  }
0xa5: {  	[sflag:s23] =	ssyncset.done $0x0  }
0xa6: {  	s25 =	simm.s32 $0x1B8E;
	s24 =	sld [smem:$0x3FFE];
	[sflag:s23] =	ssyncadd.s32 $0xFFFFFFFF  }
0xa7: {  	s26 =	simm.s32 $execute0_lowered;
	[smem:$0x3FD2] =	sst s25  }
0xa8: {  	s7 =	sshll.u32 s26, $0x1;
	_ =	strace $0x80000046;
	[dreg:$0x1] =	wrdreg $0xFFFFFFFF  }
0xa9: {  	s28 =	simm.s32 $_size_execute0_lowered;
	s5 =	sadd.s32 s5, s7;
	[dreg:$0x0] =	wrdreg $0x0  }
0xaa: {  	s7 =	sshll.u32 s28, $0x1;
	[dreg:$0x2] =	wrdreg s5  }
0xab: {  	[dreg:$0x3] =	wrdreg s7  }
0xac: {  	[dreg:$0x4] =	wrdreg $0xC0  }
0xad: {  	_ =	task [dreg:s9], $0x5FFFF  }
0xae: {  	[dreg:$0x1] =	wrdreg $0xFFFFFFFF  }
0xaf: {  	[dreg:$0x0] =	wrdreg $0x60  }
0xb0: {  	[dreg:$0x2] =	wrdreg s2  }
0xb1: {  	[dreg:$0x3] =	wrdreg s18  }
0xb2: {  	[dreg:$0x4] =	wrdreg s4  }
0xb3: {  	[dreg:$0x5] =	wrdreg s24  }
0xb4: {  	[dreg:$0x6] =	wrdreg $0x1C7800  }
0xb5: {  	[dreg:$0x7] =	wrdreg $0x9  }
0xb6: {  	_ =	task.clear_ibuf [dreg:s9], $0x8FFFF;
	_ =	strace $0x90000046  }
0xb7: {  	s29 =	simm.s32 $0x9;
	_ =	strace $0x80000048  }
0xb8: {  	_ =	swait.ge [sflag:s29], $0x1  }
0xb9: {  	[sflag:s29] =	ssyncadd.s32 $0xFFFFFFFF  }
0xba: {  	_ =	strace $0x90000048  }
0xbb: {  	_ =	sfence  }
0xbc: {  	s30 =	sld [smem:$0x0];
	_ =	sdelay $0x2  }
0xbd: {  	s31 =	sshll.u32 s1, $0xD;
	s1 =	sshrl.u32 s1, $0x2  }
0xbe: {  	s3 =	sand.u32 $0x4000, s31;
	s1 =	sadd.s32 s1, s30  }
0xbf: {  	s0 =	sor.u32 s3, s0;
	s1 =	sshll.u32 s1, $0x11  }
0xc0: {  	s0 =	sor.u32 s1, s0  }
0xc1: {  	s0 =	sadd.s32 $0x8F2B, s0  }
0xc2: {  	[sflag:s0] =	ssyncadd.remote.s32 $0x1  }
0xc3: {  	_ =	sfence.sel $0xFFFF  }
0xc4: {  	[dreg:$0x0] =	wrdreg $0xFFFFFFFF;
	(pc) =	sbr.abs _section_cstart, $3  }
0xc5: {  	[dreg:$0x1] =	wrdreg $0xFFFFFFFF  }
0xc6: {  	_ =	task.clear_ibuf [dreg:s9], $0x2FFFF;
	_ =	strace $0x9FFFFFFF  }
0xc7: {  	(tm) =	ssettm $0x7FFFFFFF  }
tec
execute0_lowered:
.L_overlay_start_1:
0x0: {  	(tag) =	ssettag $0x1  }
0x1: {  	s0 =	rddreg [dreg:$0x0]  }
0x2: {  	s1 =	rddreg [dreg:$0x1]  }
0x3: {  	s2 =	rddreg [dreg:$0x2]  }
0x4: {  	s10 =	rddreg [dreg:$0x3];
	s3 =	srdreg.scid  }
0x5: {  	s12 =	stileid.u32;
	s4 =	rddreg [dreg:$0x4]  }
0x6: {  	s15 =	simm.s32 $0x3;
	s16 =	simm.s32 $0x1;
	s17 =	simm.s32 $0x1A700  }
0x7: {  	s18 =	simm.s32 $0x1B700;
	s19 =	simm.s32 $0x2;
	s20 =	simm.s32 $0x1C700  }
0x8: {  	s21 =	simm.s32 $0x0;
	s6 =	sand.u32 $0x1, s3;
	s5 =	sshll.u32 s12, $0x1  }
0x9: {  	s3 =	rddreg [dreg:$0x5];
	p0 =	sne.s32 s12, $0x0;
	s12 =	simm.s32 $0x18700  }
0xa: {  	s8 =	sor.u32 s6, s5;
	s5 =	simm.s32 $0x0;
	s6 =	ssub.s32 $0x2, s6  }
0xb: {  	s14 =	sshrl.u32 @!p0 s4, $0x3;
	s9 =	smul.u32 $0x30D40, s8;
	[smem:$0x7FF] =	sst s5  }
0xc: {  	s7 =	sshrl.u32 s6, $0x1;
	s13 =	sshll.u32 s8, $0x4;
	_ =	strace $0x80000047  }
0xd: {  	s11 =	ssub.s32 s6, s7;
	s10 =	sadd.s32 s10, s13;
	s13 =	simm.s32 $0x19700  }
0xe: {  	s31 =	sshrl.u32 s9, $0x3;
	s8 =	sadd.s32 $0xFA0, s9;
	s9 =	sadd.s32 $0x1F40, s9  }
0xf: {  	s11 =	smax.u32 s11, $0x1;
	s6 =	sadd.s32 s1, s31;
	s7 =	sadd.s32 s2, s31  }
.LBB2_1:
0x10: {  	[tilespmem:s12], [sflag:$0x1] =	stream.linear.gather [hbm4b:s6+s5], $0xFA0, $0x38;
	[tilespmem:$0x1DFF0] =	vst v63  }
0x11: {  	s22 =	simm.s32 @!p0 $0x1C03  }
0x12: {  	[tilespmem:s13], [sflag:$0x1] =	stream.linear.gather [hbm4b:s7+s5], $0xFA0, $0x38;
	[tilespmem:$0x1DFF0] =	vst v63  }
0x13: {  	[spmem:s14], [sflag:s22] =	dma.local @!p0 [hbm:s0], $0x30E0  }
0x14: {  	s22 =	simm.s32 @!p0 $0x3  }
0x15: {  	_ =	swait.ge @!p0 [sflag:s22], $0x30E0  }
0x16: {  	[sflag:s22] =	ssyncset.done @!p0 $0x0  }
0x17: {  	[sflag:s22] =	ssyncadd.s32 @!p0 $0xFFFFCF20  }
0x18: {  	[bflag:$0x0] =	sbarrier.arrive $0xFFFF  }
0x19: {  	[tilespmem:s5], [sflag:$0x3] =	stream.linear.gather [spmem:s4], $0x18700, $0x38;
	[tilespmem:$0x1DFF0] =	vst v63  }
0x1a: {  	_ =	swait.ge [sflag:s15], $0x18700  }
0x1b: {  	[sflag:s15] =	ssyncset.done $0x0  }
0x1c: {  	v0 =	vimm.f32 $0.0e+00;
	s22 =	simm.s32 $0x0;
	[sflag:s15] =	ssyncadd.s32 $0xFFFE7900  }
.LBB2_2:
0x1d: {  	_ =	swait.ge [sflag:s16], $0xFA0  }
0x1e: {  	s23 =	smul.u32 $0x1F40, s22;
	[sflag:s16] =	ssyncset.done $0x0  }
0x1f: {  	[sflag:s16] =	ssyncadd.s32 $0xFFFFF060  }
0x20: {  	s24 =	sadd.s32 s23, s8;
	_ =	swait.ge [sflag:s16], $0xFA0  }
0x21: {  	s24 =	sshrl.u32 s24, $0x3;
	[sflag:s16] =	ssyncset.done $0x0  }
0x22: {  	s25 =	sadd.s32 s1, s24;
	[sflag:s16] =	ssyncadd.s32 $0xFFFFF060  }
0x23: {  	[tilespmem:s17], [sflag:$0x2] =	stream.linear.gather [hbm4b:s25+s5], $0xFA0, $0x38;
	[tilespmem:$0x1DFF0] =	vst v63  }
0x24: {  	s26 =	simm.s32 $0x18720;
	s24 =	sadd.s32 s2, s24  }
0x25: {  	[tilespmem:s18], [sflag:$0x2] =	stream.linear.gather [hbm4b:s24+s5], $0xFA0, $0x38;
	[tilespmem:$0x1DFF0] =	vst v63  }
0x26: {  	s28 =	simm.s32 $0x19720;
	v1 =	vld [tilespmem:s26+$0x10]  }
0x27: {  	v2 =	vld [tilespmem:s28+$0x10]  }
0x28: {  	v3 =	vld [tilespmem:s26+$0x0]  }
0x29: {  	v4 =	vld [tilespmem:s28+$0x0]  }
0x2a: {  	v5 =	vld [tilespmem:s26+$0xFFFFFFF0]  }
0x2b: {  	v6 =	vld [tilespmem:s26+$0xFFFFFFE0]  }
0x2c: {  	v7 =	vld [tilespmem:s28+$0xFFFFFFE0]  }
0x2d: {  	s31 =	simm.s32 $0x18760;
	v8 =	vld [tilespmem:s28+$0xFFFFFFF0]  }
0x2e: {  	s24 =	simm.s32 $0x19760;
	v9 =	vld [tilespmem:s31+$0x10]  }
0x2f: {  	v12 =	vld [tilespmem:s24+$0x0]  }
0x30: {  	v1 =	vld.idx.msk [tilespmem:v1+s5+$0x0], $0xffff  }
0x31: {  	v2 =	vld.idx.msk [tilespmem:v2+s5+$0x0], $0xffff  }
0x32: {  	v3 =	vld.idx.msk [tilespmem:v3+s5+$0x0], $0xffff  }
0x33: {  	v4 =	vld.idx.msk [tilespmem:v4+s5+$0x0], $0xffff  }
0x34: {  	v5 =	vld.idx.msk [tilespmem:v5+s5+$0x0], $0xffff  }
0x35: {  	v6 =	vld.idx.msk [tilespmem:v6+s5+$0x0], $0xffff  }
0x36: {  	v7 =	vld.idx.msk [tilespmem:v7+s5+$0x0], $0xffff  }
0x37: {  	v8 =	vld.idx.msk [tilespmem:v8+s5+$0x0], $0xffff  }
0x38: {  	v10 =	vld [tilespmem:s24+$0x10]  }
0x39: {  	v11 =	vld [tilespmem:s31+$0x0]  }
0x3a: {  	v13 =	vld [tilespmem:s31+$0xFFFFFFF0]  }
0x3b: {  	v15 =	vld [tilespmem:s24+$0xFFFFFFF0];
	v1 =	vsub.bf16 v1, v2;
	v2 =	vsub.bf16 v6, v7  }
0x3c: {  	v6 =	vld [tilespmem:s31+$0xFFFFFFE0];
	v5 =	vsub.bf16 v5, v8;
	v4 =	vsub.bf16 v3, v4  }
0x3d: {  	v8 =	vld [tilespmem:s24+$0xFFFFFFE0];
	v3 =	vshll.u32 v2, $0x10;
	v14 =	vand.u32 $0x7FFF0000, v1;
	v7 =	vshll.u32 v1, $0x10  }
0x3e: {  	v2 =	vand.u32 $0x7FFF0000, v2;
	v17 =	vand.u32 $0x7FFF0000, v4;
	v1 =	vld.idx.msk [tilespmem:v9+s5+$0x0], $0xffff;
	v16 =	vand.u32 $0x7FFF0000, v3  }
0x3f: {  	v18 =	vshll.u32 v5, $0x10;
	v62 =	vshll.u32 v4, $0x10;
	v4 =	vld.idx.msk [tilespmem:v12+s5+$0x0], $0xffff;
	v9 =	vsub.f32 v2, v16  }
0x40: {  	v5 =	vand.u32 $0x7FFF0000, v5;
	v3 =	vld.idx.msk [tilespmem:v10+s5+$0x0], $0xffff;
	vm0 =	veq.f32 v2, $0.0e+00;
	v10 =	vand.u32 $0x7FFF0000, v18  }
0x41: {  	v12 =	vand.u32 $0x7FFF0000, v62;
	v2 =	vld.idx.msk [tilespmem:v11+s5+$0x0], $0xffff;
	v11 =	vsub.f32 v5, v10;
	v9 =	vsel vm0, v16, v9  }
0x42: {  	v7 =	vand.u32 $0x7FFF0000, v7;
	vm0 =	veq.f32 v5, $0.0e+00;
	v9 =	vmax.f32 v9, $0.0e+00  }
0x43: {  	v5 =	vld.idx.msk [tilespmem:v13+s5+$0x0], $0xffff;
	v13 =	vmul.f32 v9, v9;
	v9 =	vsel vm0, v10, v11;
	v11 =	vsub.f32 v17, v12  }
0x44: {  	v6 =	vld.idx.msk [tilespmem:v6+s5+$0x0], $0xffff;
	vm0 =	veq.f32 v17, $0.0e+00;
	v63 =	vmax.f32 v9, $0.0e+00;
	v9 =	vsub.f32 v14, v7  }
0x45: {  	v8 =	vld.idx.msk [tilespmem:v8+s5+$0x0], $0xffff;
	v10 =	vadd.f32 v13, v0;
	v12 =	vsel vm0, v12, v11;
	v11 =	vmul.f32 v63, v63  }
0x46: {  	s29 =	simm.s32 $0x40;
	s30 =	simm.s32 $0x187A0;
	v0 =	vld.idx.msk [tilespmem:v15+s5+$0x0], $0xffff;
	vm0 =	veq.f32 v14, $0.0e+00;
	v12 =	vmax.f32 v12, $0.0e+00  }
.LBB2_3:
0x47: {  	v13 =	vld [tilespmem:s30+$0x10];
	s24 =	sadd.s32 $0x40, s24;
	v10 =	vadd.f32 v11, v10;
	v11 =	vmul.f32 v12, v12;
	v7 =	vsel vm0, v7, v9  }
0x48: {  	v9 =	vld [tilespmem:s24+$0x10];
	v7 =	vmax.f32 v7, $0.0e+00  }
0x49: {  	v12 =	vld [tilespmem:s30+$0x0];
	v10 =	vadd.f32 v11, v10;
	v7 =	vmul.f32 v7, v7  }
0x4a: {  	v1 =	vsub.bf16 v1, v3;
	v11 =	vld [tilespmem:s24+$0x0]  }
0x4b: {  	s25 =	simm.s32 $0xF70;
	s26 =	simm.s32 $0x1A680;
	s28 =	simm.s32 $0x19680;
	v3 =	vsub.bf16 v6, v8;
	v14 =	vld [tilespmem:s30+$0xFFFFFFF0];
	v10 =	vadd.f32 v7, v10  }
0x4c: {  	v2 =	vsub.bf16 v2, v4;
	v0 =	vsub.bf16 v5, v0;
	v6 =	vld [tilespmem:s30+$0xFFFFFFE0]  }
0x4d: {  	s29 =	sadd.s32 $0x40, s29;
	v15 =	vand.u32 $0x7FFF0000, v1;
	v5 =	vshll.u32 v1, $0x10;
	v4 =	vshll.u32 v3, $0x10;
	v8 =	vld [tilespmem:s24+$0xFFFFFFE0]  }
0x4e: {  	p1 =	slt.u32 s29, $0xF40;
	v17 =	vand.u32 $0x7FFF0000, v2;
	v7 =	vand.u32 $0x7FFF0000, v3;
	v4 =	vand.u32 $0x7FFF0000, v4;
	v16 =	vld [tilespmem:s24+$0xFFFFFFF0]  }
0x4f: {  	v19 =	vshll.u32 v2, $0x10;
	v18 =	vshll.u32 v0, $0x10;
	v1 =	vld.idx.msk [tilespmem:v13+s5+$0x0], $0xffff;
	v13 =	vsub.f32 v7, v4  }
0x50: {  	vm0 =	veq.f32 v7, $0.0e+00;
	v0 =	vand.u32 $0x7FFF0000, v0;
	v3 =	vld.idx.msk [tilespmem:v9+s5+$0x0], $0xffff;
	v9 =	vand.u32 $0x7FFF0000, v18  }
0x51: {  	v7 =	vand.u32 $0x7FFF0000, v5;
	v2 =	vld.idx.msk [tilespmem:v12+s5+$0x0], $0xffff;
	v12 =	vsel vm0, v4, v13;
	v13 =	vsub.f32 v0, v9  }
.Ltmp0:
0x52: {  	vm0 =	veq.f32 v0, $0.0e+00;
	v0 =	vand.u32 $0x7FFF0000, v19;
	v4 =	vld.idx.msk [tilespmem:v11+s5+$0x0], $0xffff;
	v11 =	vmax.f32 v12, $0.0e+00;
	(pc) =	sbr.rel @p1 .LBB2_3-.Ltmp0, $4  }
0x53: {  	v12 =	vsub.f32 v17, v0;
	v5 =	vld.idx.msk [tilespmem:v14+s5+$0x0], $0xffff;
	v11 =	vmul.f32 v11, v11;
	v9 =	vsel vm0, v9, v13  }
0x54: {  	vm0 =	veq.f32 v17, $0.0e+00;
	v6 =	vld.idx.msk [tilespmem:v6+s5+$0x0], $0xffff;
	v13 =	vmax.f32 v9, $0.0e+00;
	v9 =	vsub.f32 v15, v7  }
0x55: {  	v12 =	vsel vm0, v0, v12;
	v8 =	vld.idx.msk [tilespmem:v8+s5+$0x0], $0xffff;
	v10 =	vadd.f32 v11, v10;
	v11 =	vmul.f32 v13, v13  }
0x56: {  	s30 =	sadd.s32 $0x40, s30;
	vm0 =	veq.f32 v15, $0.0e+00;
	v12 =	vmax.f32 v12, $0.0e+00;
	v0 =	vld.idx.msk [tilespmem:v16+s5+$0x0], $0xffff  }
0x57: {  	_ = 	snop  }
0x58: {  	v10 =	vadd.f32 v11, v10;
	v53 =	vmul.f32 v12, v12  }
0x59: {  	v7 =	vsel vm0, v7, v9;
	v1 =	vsub.bf16 v1, v3;
	v2 =	vsub.bf16 v2, v4  }
0x5a: {  	v7 =	vmax.f32 v7, $0.0e+00;
	v54 =	vadd.f32 v53, v10;
	v3 =	vsub.bf16 v6, v8  }
0x5b: {  	v7 =	vmul.f32 v7, v7;
	v57 =	vand.u32 $0x7FFF0000, v1;
	v1 =	vshll.u32 v1, $0x10  }
0x5c: {  	v58 =	vand.u32 $0x7FFF0000, v2;
	v0 =	vsub.bf16 v5, v0;
	v56 =	vshll.u32 v3, $0x10  }
0x5d: {  	v2 =	vshll.u32 v2, $0x10;
	v3 =	vand.u32 $0x7FFF0000, v3;
	v4 =	vand.u32 $0x7FFF0000, v56  }
0x5e: {  	v1 =	vand.u32 $0x7FFF0000, v1;
	v60 =	vshll.u32 v0, $0x10;
	v59 =	vsub.f32 v3, v4  }
0x5f: {  	vm12 =	veq.f32 v3, $0.0e+00;
	v0 =	vand.u32 $0x7FFF0000, v0;
	v3 =	vand.u32 $0x7FFF0000, v60  }
0x60: {  	v55 =	vadd.f32 v7, v54;
	v61 =	vsub.f32 v0, v3;
	v4 =	vsel vm12, v4, v59  }
0x61: {  	vm13 =	veq.f32 v0, $0.0e+00;
	v0 =	vand.u32 $0x7FFF0000, v2;
	v4 =	vmax.f32 v4, $0.0e+00  }
0x62: {  	v62 =	vsub.f32 v58, v0;
	v3 =	vsel vm13, v3, v61;
	v2 =	vmul.f32 v4, v4  }
0x63: {  	vm14 =	veq.f32 v58, $0.0e+00;
	v63 =	vsub.f32 v57, v1;
	v3 =	vmax.f32 v3, $0.0e+00  }
0x64: {  	v0 =	vsel vm14, v0, v62;
	v3 =	vmul.f32 v3, v3;
	v2 =	vadd.f32 v2, v55  }
0x65: {  	vm15 =	veq.f32 v57, $0.0e+00;
	v0 =	vmax.f32 v0, $0.0e+00  }
0x66: {  	v1 =	vsel vm15, v1, v63;
	v0 =	vmul.f32 v0, v0;
	v2 =	vadd.f32 v3, v2  }
0x67: {  	v1 =	vmax.f32 v1, $0.0e+00  }
0x68: {  	v1 =	vmul.f32 v1, v1;
	v0 =	vadd.f32 v0, v2;
	_ =	sdelay $0x1  }
0x69: {  	v0 =	vadd.f32 v1, v0  }
.LBB2_5:
0x6a: {  	v1 =	vld [tilespmem:s28+$0x0]  }
0x6b: {  	v2 =	vld [tilespmem:s26+$0x0];
	_ =	sdelay $0x6  }
0x6c: {  	v1 =	vld.idx.msk [tilespmem:v1+s5+$0x0], $0xffff  }
0x6d: {  	v2 =	vld.idx.msk [tilespmem:v2+s5+$0x0], $0xffff;
	_ =	sdelay $0x4  }
0x6e: {  	v1 =	vsub.bf16 v1, v2;
	_ =	sdelay $0x1  }
0x6f: {  	v2 =	vshll.u32 v1, $0x10  }
0x70: {  	v1 =	vand.u32 $0x7FFF0000, v1;
	v2 =	vand.u32 $0x7FFF0000, v2  }
0x71: {  	s25 =	sadd.s32 $0x10, s25;
	v3 =	vsub.f32 v1, v2  }
0x72: {  	p1 =	slt.u32 s25, $0xF90;
	vm0 =	veq.f32 v1, $0.0e+00  }
.Ltmp1:
0x73: {  	v1 =	vsel vm0, v2, v3;
	(pc) =	sbr.rel @p1 .LBB2_5-.Ltmp1, $3  }
0x74: {  	v1 =	vmax.f32 v1, $0.0e+00  }
0x75: {  	v1 =	vmul.f32 v1, v1;
	_ =	sdelay $0x1  }
0x76: {  	s26 =	sadd.s32 $0x10, s26;
	s28 =	sadd.s32 $0x10, s28;
	v0 =	vadd.f32 v1, v0  }
0x77: {  	_ =	swait.ge [sflag:s19], $0xFA0  }
0x78: {  	[sflag:s19] =	ssyncset.done $0x0  }
0x79: {  	p1 =	seq.s32 s22, $0x18;
	[sflag:s19] =	ssyncadd.s32 $0xFFFFF060  }
0x7a: {  	s23 =	sadd.s32 @!p1 s23, s9;
	_ =	swait.ge [sflag:s19], $0xFA0  }
0x7b: {  	s25 =	simm.s32 @!p1 $0x0;
	s23 =	sshrl.u32 @!p1 s23, $0x3;
	[sflag:s19] =	ssyncset.done $0x0  }
0x7c: {  	s26 =	simm.s32 @!p1 $0x18700;
	s24 =	sadd.s32 @!p1 s1, s23;
	[sflag:s19] =	ssyncadd.s32 $0xFFFFF060  }
0x7d: {  	[tilespmem:s26], [sflag:$0x1] =	stream.linear.gather @!p1 [hbm4b:s24+s25], $0xFA0, $0x38;
	[tilespmem:$0x1DFF0] =	vst v63  }
0x7e: {  	s29 =	simm.s32 $0x1A720;
	s23 =	sadd.s32 @!p1 s2, s23;
	s24 =	simm.s32 @!p1 $0x19700  }
0x7f: {  	[tilespmem:s24], [sflag:$0x1] =	stream.linear.gather @!p1 [hbm4b:s23+s25], $0xFA0, $0x38;
	[tilespmem:$0x1DFF0] =	vst v63  }
0x80: {  	s30 =	simm.s32 $0x1B720;
	v1 =	vld [tilespmem:s29+$0x10]  }
0x81: {  	v2 =	vld [tilespmem:s30+$0x10]  }
0x82: {  	v3 =	vld [tilespmem:s29+$0x0]  }
0x83: {  	v4 =	vld [tilespmem:s30+$0x0]  }
0x84: {  	v5 =	vld [tilespmem:s29+$0xFFFFFFF0]  }
0x85: {  	v6 =	vld [tilespmem:s29+$0xFFFFFFE0]  }
0x86: {  	v7 =	vld [tilespmem:s30+$0xFFFFFFE0]  }
0x87: {  	s31 =	simm.s32 $0x1A760;
	v8 =	vld [tilespmem:s30+$0xFFFFFFF0]  }
0x88: {  	s23 =	simm.s32 $0x1B760;
	v9 =	vld [tilespmem:s31+$0x10]  }
0x89: {  	v12 =	vld [tilespmem:s23+$0x0]  }
0x8a: {  	v1 =	vld.idx.msk [tilespmem:v1+s5+$0x0], $0xffff  }
0x8b: {  	v2 =	vld.idx.msk [tilespmem:v2+s5+$0x0], $0xffff  }
0x8c: {  	v3 =	vld.idx.msk [tilespmem:v3+s5+$0x0], $0xffff  }
0x8d: {  	v4 =	vld.idx.msk [tilespmem:v4+s5+$0x0], $0xffff  }
0x8e: {  	v5 =	vld.idx.msk [tilespmem:v5+s5+$0x0], $0xffff  }
0x8f: {  	v6 =	vld.idx.msk [tilespmem:v6+s5+$0x0], $0xffff  }
0x90: {  	v7 =	vld.idx.msk [tilespmem:v7+s5+$0x0], $0xffff  }
0x91: {  	v8 =	vld.idx.msk [tilespmem:v8+s5+$0x0], $0xffff  }
0x92: {  	v10 =	vld [tilespmem:s23+$0x10]  }
0x93: {  	v11 =	vld [tilespmem:s31+$0x0]  }
0x94: {  	v13 =	vld [tilespmem:s31+$0xFFFFFFF0]  }
0x95: {  	v15 =	vld [tilespmem:s23+$0xFFFFFFF0];
	v1 =	vsub.bf16 v1, v2;
	v2 =	vsub.bf16 v6, v7  }
0x96: {  	v6 =	vld [tilespmem:s31+$0xFFFFFFE0];
	v5 =	vsub.bf16 v5, v8;
	v4 =	vsub.bf16 v3, v4  }
0x97: {  	v8 =	vld [tilespmem:s23+$0xFFFFFFE0];
	v3 =	vshll.u32 v2, $0x10;
	v14 =	vand.u32 $0x7FFF0000, v1;
	v7 =	vshll.u32 v1, $0x10  }
0x98: {  	v2 =	vand.u32 $0x7FFF0000, v2;
	v17 =	vand.u32 $0x7FFF0000, v4;
	v1 =	vld.idx.msk [tilespmem:v9+s5+$0x0], $0xffff;
	v16 =	vand.u32 $0x7FFF0000, v3  }
0x99: {  	v18 =	vshll.u32 v5, $0x10;
	v62 =	vshll.u32 v4, $0x10;
	v4 =	vld.idx.msk [tilespmem:v12+s5+$0x0], $0xffff;
	v9 =	vsub.f32 v2, v16  }
0x9a: {  	v5 =	vand.u32 $0x7FFF0000, v5;
	v3 =	vld.idx.msk [tilespmem:v10+s5+$0x0], $0xffff;
	vm0 =	veq.f32 v2, $0.0e+00;
	v10 =	vand.u32 $0x7FFF0000, v18  }
0x9b: {  	v12 =	vand.u32 $0x7FFF0000, v62;
	v2 =	vld.idx.msk [tilespmem:v11+s5+$0x0], $0xffff;
	v11 =	vsub.f32 v5, v10;
	v9 =	vsel vm0, v16, v9  }
0x9c: {  	v7 =	vand.u32 $0x7FFF0000, v7;
	vm0 =	veq.f32 v5, $0.0e+00;
	v9 =	vmax.f32 v9, $0.0e+00  }
0x9d: {  	v5 =	vld.idx.msk [tilespmem:v13+s5+$0x0], $0xffff;
	v13 =	vmul.f32 v9, v9;
	v9 =	vsel vm0, v10, v11;
	v11 =	vsub.f32 v17, v12  }
0x9e: {  	v6 =	vld.idx.msk [tilespmem:v6+s5+$0x0], $0xffff;
	vm0 =	veq.f32 v17, $0.0e+00;
	v63 =	vmax.f32 v9, $0.0e+00;
	v9 =	vsub.f32 v14, v7  }
0x9f: {  	v8 =	vld.idx.msk [tilespmem:v8+s5+$0x0], $0xffff;
	v10 =	vadd.f32 v13, v0;
	v12 =	vsel vm0, v12, v11;
	v11 =	vmul.f32 v63, v63  }
0xa0: {  	s28 =	simm.s32 $0x1A7A0;
	s26 =	simm.s32 $0x40;
	v0 =	vld.idx.msk [tilespmem:v15+s5+$0x0], $0xffff;
	vm0 =	veq.f32 v14, $0.0e+00;
	v12 =	vmax.f32 v12, $0.0e+00  }
.LBB2_7:
0xa1: {  	v13 =	vld [tilespmem:s28+$0x10];
	s23 =	sadd.s32 $0x40, s23;
	v10 =	vadd.f32 v11, v10;
	v11 =	vmul.f32 v12, v12;
	v7 =	vsel vm0, v7, v9  }
0xa2: {  	v9 =	vld [tilespmem:s23+$0x10];
	v7 =	vmax.f32 v7, $0.0e+00  }
0xa3: {  	v12 =	vld [tilespmem:s28+$0x0];
	v10 =	vadd.f32 v11, v10;
	v7 =	vmul.f32 v7, v7  }
0xa4: {  	v1 =	vsub.bf16 v1, v3;
	v11 =	vld [tilespmem:s23+$0x0]  }
0xa5: {  	s24 =	simm.s32 $0x1C680;
	s25 =	simm.s32 $0x1B680;
	v3 =	vsub.bf16 v6, v8;
	v14 =	vld [tilespmem:s28+$0xFFFFFFF0];
	v10 =	vadd.f32 v7, v10  }
0xa6: {  	v2 =	vsub.bf16 v2, v4;
	v0 =	vsub.bf16 v5, v0;
	v6 =	vld [tilespmem:s28+$0xFFFFFFE0]  }
0xa7: {  	s26 =	sadd.s32 $0x40, s26;
	v15 =	vand.u32 $0x7FFF0000, v1;
	v5 =	vshll.u32 v1, $0x10;
	v4 =	vshll.u32 v3, $0x10;
	v8 =	vld [tilespmem:s23+$0xFFFFFFE0]  }
0xa8: {  	p1 =	slt.u32 s26, $0xF40;
	v17 =	vand.u32 $0x7FFF0000, v2;
	v7 =	vand.u32 $0x7FFF0000, v3;
	v4 =	vand.u32 $0x7FFF0000, v4;
	v16 =	vld [tilespmem:s23+$0xFFFFFFF0]  }
0xa9: {  	v19 =	vshll.u32 v2, $0x10;
	v18 =	vshll.u32 v0, $0x10;
	v1 =	vld.idx.msk [tilespmem:v13+s5+$0x0], $0xffff;
	v13 =	vsub.f32 v7, v4  }
0xaa: {  	vm0 =	veq.f32 v7, $0.0e+00;
	v0 =	vand.u32 $0x7FFF0000, v0;
	v3 =	vld.idx.msk [tilespmem:v9+s5+$0x0], $0xffff;
	v9 =	vand.u32 $0x7FFF0000, v18  }
0xab: {  	v7 =	vand.u32 $0x7FFF0000, v5;
	v2 =	vld.idx.msk [tilespmem:v12+s5+$0x0], $0xffff;
	v12 =	vsel vm0, v4, v13;
	v13 =	vsub.f32 v0, v9  }
.Ltmp2:
0xac: {  	vm0 =	veq.f32 v0, $0.0e+00;
	v0 =	vand.u32 $0x7FFF0000, v19;
	v4 =	vld.idx.msk [tilespmem:v11+s5+$0x0], $0xffff;
	v11 =	vmax.f32 v12, $0.0e+00;
	(pc) =	sbr.rel @p1 .LBB2_7-.Ltmp2, $4  }
0xad: {  	v12 =	vsub.f32 v17, v0;
	v5 =	vld.idx.msk [tilespmem:v14+s5+$0x0], $0xffff;
	v11 =	vmul.f32 v11, v11;
	v9 =	vsel vm0, v9, v13  }
0xae: {  	vm0 =	veq.f32 v17, $0.0e+00;
	v6 =	vld.idx.msk [tilespmem:v6+s5+$0x0], $0xffff;
	v13 =	vmax.f32 v9, $0.0e+00;
	v9 =	vsub.f32 v15, v7  }
0xaf: {  	v12 =	vsel vm0, v0, v12;
	v8 =	vld.idx.msk [tilespmem:v8+s5+$0x0], $0xffff;
	v10 =	vadd.f32 v11, v10;
	v11 =	vmul.f32 v13, v13  }
0xb0: {  	s28 =	sadd.s32 $0x40, s28;
	vm0 =	veq.f32 v15, $0.0e+00;
	v12 =	vmax.f32 v12, $0.0e+00;
	v0 =	vld.idx.msk [tilespmem:v16+s5+$0x0], $0xffff  }
0xb1: {  	_ = 	snop  }
0xb2: {  	v10 =	vadd.f32 v11, v10;
	v53 =	vmul.f32 v12, v12  }
0xb3: {  	v7 =	vsel vm0, v7, v9;
	v1 =	vsub.bf16 v1, v3;
	v2 =	vsub.bf16 v2, v4  }
0xb4: {  	v7 =	vmax.f32 v7, $0.0e+00;
	v54 =	vadd.f32 v53, v10;
	v3 =	vsub.bf16 v6, v8  }
0xb5: {  	v7 =	vmul.f32 v7, v7;
	v57 =	vand.u32 $0x7FFF0000, v1;
	v1 =	vshll.u32 v1, $0x10  }
0xb6: {  	v58 =	vand.u32 $0x7FFF0000, v2;
	v0 =	vsub.bf16 v5, v0;
	v56 =	vshll.u32 v3, $0x10  }
0xb7: {  	v2 =	vshll.u32 v2, $0x10;
	v3 =	vand.u32 $0x7FFF0000, v3;
	v4 =	vand.u32 $0x7FFF0000, v56  }
0xb8: {  	v1 =	vand.u32 $0x7FFF0000, v1;
	v60 =	vshll.u32 v0, $0x10;
	v59 =	vsub.f32 v3, v4  }
0xb9: {  	vm12 =	veq.f32 v3, $0.0e+00;
	v0 =	vand.u32 $0x7FFF0000, v0;
	v3 =	vand.u32 $0x7FFF0000, v60  }
0xba: {  	v55 =	vadd.f32 v7, v54;
	v61 =	vsub.f32 v0, v3;
	v4 =	vsel vm12, v4, v59  }
0xbb: {  	vm13 =	veq.f32 v0, $0.0e+00;
	v0 =	vand.u32 $0x7FFF0000, v2;
	v4 =	vmax.f32 v4, $0.0e+00  }
0xbc: {  	v62 =	vsub.f32 v58, v0;
	v3 =	vsel vm13, v3, v61;
	v2 =	vmul.f32 v4, v4  }
0xbd: {  	vm14 =	veq.f32 v58, $0.0e+00;
	v63 =	vsub.f32 v57, v1;
	v3 =	vmax.f32 v3, $0.0e+00  }
0xbe: {  	v0 =	vsel vm14, v0, v62;
	v3 =	vmul.f32 v3, v3;
	v2 =	vadd.f32 v2, v55  }
0xbf: {  	vm15 =	veq.f32 v57, $0.0e+00;
	v0 =	vmax.f32 v0, $0.0e+00  }
0xc0: {  	v1 =	vsel vm15, v1, v63;
	v0 =	vmul.f32 v0, v0;
	v2 =	vadd.f32 v3, v2  }
0xc1: {  	v1 =	vmax.f32 v1, $0.0e+00  }
0xc2: {  	v1 =	vmul.f32 v1, v1;
	v0 =	vadd.f32 v0, v2;
	_ =	sdelay $0x1  }
0xc3: {  	s23 =	simm.s32 $0xF70;
	v0 =	vadd.f32 v1, v0  }
.LBB2_9:
0xc4: {  	v1 =	vld [tilespmem:s25+$0x0]  }
0xc5: {  	v2 =	vld [tilespmem:s24+$0x0];
	_ =	sdelay $0x6  }
0xc6: {  	v1 =	vld.idx.msk [tilespmem:v1+s5+$0x0], $0xffff  }
0xc7: {  	v2 =	vld.idx.msk [tilespmem:v2+s5+$0x0], $0xffff;
	_ =	sdelay $0x4  }
0xc8: {  	v1 =	vsub.bf16 v1, v2;
	_ =	sdelay $0x1  }
0xc9: {  	v2 =	vshll.u32 v1, $0x10  }
0xca: {  	v1 =	vand.u32 $0x7FFF0000, v1;
	v2 =	vand.u32 $0x7FFF0000, v2  }
0xcb: {  	s23 =	sadd.s32 $0x10, s23;
	v3 =	vsub.f32 v1, v2  }
0xcc: {  	p1 =	slt.u32 s23, $0xF90;
	vm0 =	veq.f32 v1, $0.0e+00  }
.Ltmp3:
0xcd: {  	v1 =	vsel vm0, v2, v3;
	(pc) =	sbr.rel @p1 .LBB2_9-.Ltmp3, $3  }
0xce: {  	v1 =	vmax.f32 v1, $0.0e+00  }
0xcf: {  	v1 =	vmul.f32 v1, v1;
	_ =	sdelay $0x1  }
0xd0: {  	s24 =	sadd.s32 $0x10, s24;
	s25 =	sadd.s32 $0x10, s25;
	v0 =	vadd.f32 v1, v0  }
0xd1: {  	s22 =	sadd.s32 $0x1, s22  }
0xd2: {  	p1 =	sne.s32 s22, $0x19  }
.Ltmp4:
0xd3: {  	_ = 	snop;
	(pc) =	sbr.rel @p1 .LBB2_2-.Ltmp4, $1  }
0xd4: {  	_ =	sdelay $0x3  }
0xd5: {  	s21 =	sadd.s32 $0x1, s21  }
0xd6: {  	p1 =	sne.s32 s21, s11  }
.Ltmp5:
0xd7: {  	[tilespmem:$0x1C700] =	vst v0;
	(pc) =	sbr.rel @p1 .LBB2_1-.Ltmp5, $4  }
0xd8: {  	[hbm4b:s10+s5] =	stream.linear.scatter [tilespmem:s20], [sflag:$0x3], $0x80, $0x38;
	[tilespmem:$0x1DFF0] =	vst v63  }
0xd9: {  	_ =	swait.ge [sflag:s15], $0x80  }
0xda: {  	[sflag:s15] =	ssyncset.done $0x0  }
0xdb: {  	[sflag:s15] =	ssyncadd.s32 $0xFFFFFF80  }
0xdc: {  	_ =	sfence.sel $0x180000  }
0xdd: {  	[bflag:$0x0] =	sbarrier.arrive $0xFFFF  }
0xde: {  	_ =	strace $0x90000047  }
0xdf: {  	s0 =	sadd.s32 @!p0 $0x100000, s3;
	[bflag:$0x2] =	sbarrier.arrive $0xFFFF  }
0xe0: {  	[sflag:s0] =	ssyncadd.tile.s32 @!p0 $0x1;
	_ =	shalt  }
.Lfunc_end2:
_tile_overlayer_lowered:
.L_overlay_start_2:
0xe1: {  	(tag) =	ssettag $0x2  }
0xe2: {  	s0 =	rddreg [dreg:$0x0];
	s2 =	stileid.u32  }
0xe3: {  	s1 =	rddreg [dreg:$0x1];
	p0 =	sne.s32 s2, $0x0  }
0xe4: {  	s3 =	rddreg [dreg:$0x2];
	[bflag:$0x3] =	sbarrier.arrive $0xFFFF;
	s2 =	simm.s32 @!p0 $0x1C03  }
0xe5: {  	[timem:s3], [sflag:s2] =	dma.local @!p0 [hbm:s0], s1  }
0xe6: {  	s0 =	simm.s32 @!p0 $0x3  }
0xe7: {  	_ =	swait.ge @!p0 [sflag:s0], s1  }
0xe8: {  	s1 =	ssub.s32 @!p0 $0x0, s1;
	[sflag:s0] =	ssyncset.done @!p0 $0x0  }
0xe9: {  	[sflag:s0] =	ssyncadd.s32 @!p0 s1  }
0xea: {  	[bflag:$0x3] =	sbarrier.arrive $0xFFFF  }
0xeb: {  	_ =	shalt  }

</sc_bundles>
